<compile_context>
chip_gen: v7x
topology: tpu7x:2x2x1
jax: 0.10.2.dev20260603
libtpu: 0.0.44.dev20260713+nightly
codegen_flags: <defaults>
</compile_context>

<pallas_src>
import functools

import jax
import jax.numpy as jnp
from jax import lax
from jax.experimental import pallas as pl
from jax.experimental.pallas import tpu as pltpu
from jax.experimental.pallas import tpu_sc as plsc


def _plane_body(row_ref, col_ref, o_ref):
    d, h = row_ref.shape
    w = col_ref.shape[1]
    hw = h * w
    p_i = jax.lax.broadcasted_iota(jnp.int32, (h, hw), 1) // w
    p_j = jax.lax.broadcasted_iota(jnp.int32, (w, hw), 1) % w
    ii = jax.lax.broadcasted_iota(jnp.int32, (h, hw), 0)
    jj = jax.lax.broadcasted_iota(jnp.int32, (w, hw), 0)
    R = (p_i == ii).astype(jnp.float32)
    C = (p_j == jj).astype(jnp.float32)
    o_ref[...] = (
        jnp.dot(row_ref[...], R, preferred_element_type=jnp.float32,
                precision=jax.lax.Precision.HIGHEST)
        + jnp.dot(col_ref[...], C, preferred_element_type=jnp.float32,
                  precision=jax.lax.Precision.HIGHEST)
    )


def kernel(x, mask, row_embed, col_embed):
    B = x.shape[0]
    h, w = x.shape[-2], x.shape[-1]
    hw = h * w
    d = row_embed.shape[-1]
    rowT = row_embed.T
    colT = col_embed.T

    plane = pl.pallas_call(
        _plane_body,
        in_specs=[
            pl.BlockSpec((d, h), lambda: (0, 0)),
            pl.BlockSpec((d, w), lambda: (0, 0)),
        ],
        out_specs=pl.BlockSpec((d, hw), lambda: (0, 0)),
        out_shape=jax.ShapeDtypeStruct((d, hw), jnp.float32),
    )(rowT, colT)

    info = plsc.get_sparse_core_info()
    NC, NS = info.num_cores, info.num_subcores
    NW = NC * NS
    C = max(1, NW // B)
    while d % C != 0 or (B * C) % NW != 0:
        C -= 1
    dk = d // C
    per_w = (B * C) // NW

    mesh = plsc.VectorSubcoreMesh(core_axis_name="c", subcore_axis_name="s")

    @functools.partial(
        pl.kernel,
        mesh=mesh,
        out_type=jax.ShapeDtypeStruct((B, d, hw), jnp.float32),
    )
    def _fanout(plane_hbm, out_hbm):
        wid = lax.axis_index("s") * NC + lax.axis_index("c")
        for k in range(per_w):
            item = wid * per_w + k
            b = item // C
            c0 = (item % C) * dk
            pltpu.sync_copy(
                plane_hbm.at[pl.ds(c0, dk)],
                out_hbm.at[b].at[pl.ds(c0, dk)],
            )

    out = _fanout(plane)
    return out.reshape(B, d, h, w)

# --- scband reference (transcript-rebuilt; emitter-appended) ---
"""Pipeline reference for scband-position-embedding-learned-33724083208281 (READ-ONLY COPY).

The authoritative reference and input builder live on the scoring server;
editing this copy changes nothing except your own understanding.
"""

import jax, jax.numpy as jnp
import numpy as np

NUM_POS_FEATS = 256

def setup_inputs(seed: int = 0) -> dict:
    key = jax.random.key(seed)
    k1, k2, k3 = jax.random.split(key, 3)
    x = jax.random.normal(k1, (16, 768, 32, 32), dtype=jnp.float32)
    mask = jnp.zeros((16, 32, 32), dtype=bool)
    # learned embedding tables, uniform init as in reset_parameters
    row_embed = jax.random.uniform(k2, (32, NUM_POS_FEATS), dtype=jnp.float32)
    col_embed = jax.random.uniform(k3, (32, NUM_POS_FEATS), dtype=jnp.float32)
    return {"x": x, "mask": mask, "row_embed": row_embed, "col_embed": col_embed}

def reference(x, mask, row_embed, col_embed):
    h, w = x.shape[-2], x.shape[-1]
    i = jnp.arange(w)
    j = jnp.arange(h)
    x_emb = jnp.take(col_embed, i, axis=0)            # [w, d]
    y_emb = jnp.take(row_embed, j, axis=0)            # [h, d]
    x_emb = jnp.broadcast_to(x_emb[None, :, :], (h, w, x_emb.shape[-1]))  # [h, w, d]
    y_emb = jnp.broadcast_to(y_emb[:, None, :], (h, w, y_emb.shape[-1]))  # [h, w, d]
    pos = jnp.transpose(x_emb + y_emb, (2, 0, 1))     # [d, h, w]
    pos = jnp.broadcast_to(pos[None, :, :, :], (x.shape[0],) + pos.shape)  # [B, d, h, w]
    return pos

if __name__ == "__main__":
    import jax
    _d = setup_inputs()
    print(jax.jit(kernel)(*tuple(_d.values())))

</pallas_src>

<mosaic_0001>
#map = affine_map<(d0, d1) -> (0, 0)>
#map1 = affine_map<(d0, d1) -> (0, 0, 0)>
module attributes {stable_mosaic.version = 14 : i64} {
  func.func @_fanout(%arg0: i32, %arg1: i32, %arg2: memref<256x1024xf32, #tpu.memory_space<hbm>>, %arg3: memref<16x256x1024xf32, #tpu.memory_space<hbm>>) attributes {dimension_semantics = [#tpu.dimension_semantics<core_parallel>, #tpu.dimension_semantics<subcore_parallel>], iteration_bounds = array<i64: 2, 16>, scalar_prefetch = 0 : i64, scratch_operands = 0 : i64, tpu.core_type = #tpu.core_type<sc_vector_subcore>, window_params = [{transform_indices = #map}, {transform_indices = #map1}]} {
    %mul3A = arith.constant 2 : i32
    %mul3A_0 = arith.muli %arg1, %mul3A : i32
    %add3A = arith.addi %mul3A_0, %arg0 : i32
    %mul3A_1 = arith.constant 1 : i32
    %mul3A_2 = arith.muli %add3A, %mul3A_1 : i32
    %add3A_3 = arith.constant 0 : i32
    %add3A_4 = arith.addi %mul3A_2, %add3A_3 : i32
    %jit3A = arith.constant 2 : i32
    %div3A = arith.divsi %add3A_4, %jit3A : i32
    %sign3A = arith.constant 0 : i32
    %sign3A_5 = arith.cmpi sgt, %add3A_4, %sign3A : i32
    %sign3A_6 = arith.extui %sign3A_5 : i1 to i32
    %sign3A_7 = arith.constant 0 : i32
    %sign3A_8 = arith.cmpi slt, %add3A_4, %sign3A_7 : i32
    %sign3A_9 = arith.extui %sign3A_8 : i1 to i32
    %sign3A_10 = arith.subi %sign3A_6, %sign3A_9 : i32
    %sign3A_11 = arith.constant 0 : i32
    %sign3A_12 = arith.cmpi sgt, %jit3A, %sign3A_11 : i32
    %sign3A_13 = arith.extui %sign3A_12 : i1 to i32
    %sign3A_14 = arith.constant 0 : i32
    %sign3A_15 = arith.cmpi slt, %jit3A, %sign3A_14 : i32
    %sign3A_16 = arith.extui %sign3A_15 : i1 to i32
    %sign3A_17 = arith.subi %sign3A_13, %sign3A_16 : i32
    %ne3A = arith.cmpi ne, %sign3A_10, %sign3A_17 : i32
    %rem3A = arith.remsi %add3A_4, %jit3A : i32
    %ne3A_18 = arith.constant 0 : i32
    %ne3A_19 = arith.cmpi ne, %rem3A, %ne3A_18 : i32
    %and3A = arith.andi %ne3A, %ne3A_19 : i1
    %sub3A = arith.constant 1 : i32
    %sub3A_20 = arith.subi %div3A, %sub3A : i32
    %select_n3A = arith.select %and3A, %sub3A_20, %div3A : i32
    %jit3A_21 = arith.constant 2 : i32
    %eq3A = arith.constant 0 : i32
    %eq3A_22 = arith.cmpi eq, %jit3A_21, %eq3A : i32
    %jit3A_23 = arith.constant 1 : i32
    %select_n3A_24 = arith.select %eq3A_22, %jit3A_23, %jit3A_21 : i32
    %rem3A_25 = arith.remsi %add3A_4, %select_n3A_24 : i32
    %ne3A_26 = arith.constant 0 : i32
    %ne3A_27 = arith.cmpi ne, %rem3A_25, %ne3A_26 : i32
    %lt3A = arith.constant 0 : i32
    %lt3A_28 = arith.cmpi slt, %rem3A_25, %lt3A : i32
    %lt3A_29 = arith.constant 0 : i32
    %lt3A_30 = arith.cmpi slt, %select_n3A_24, %lt3A_29 : i32
    %ne3A_31 = arith.xori %lt3A_28, %lt3A_30 : i1
    %and3A_32 = arith.andi %ne3A_31, %ne3A_27 : i1
    %add3A_33 = arith.addi %rem3A_25, %select_n3A_24 : i32
    %select_n3A_34 = arith.select %and3A_32, %add3A_33, %rem3A_25 : i32
    %mul3A_35 = arith.constant 128 : i32
    %mul3A_36 = arith.muli %select_n3A_34, %mul3A_35 : i32
    "tpu.region"() ({
      %run_scoped3A = tpu.sem_alloc : memref<!tpu.dma_semaphore, #tpu.memory_space<semaphore_mem>>
      %dma_start3A = arith.constant 0 : i32
      %dma_start3A_37 = arith.constant 0 : i32
      %dma_start3A_38 = tpu.memref_slice %arg3[%select_n3A, %dma_start3A, %dma_start3A_37] : memref<16x256x1024xf32, #tpu.memory_space<hbm>> -> memref<1x256x1024xf32, #tpu.memory_space<hbm>>
      %dma_start3A_39 = tpu.memref_squeeze %dma_start3A_38 : memref<1x256x1024xf32, #tpu.memory_space<hbm>> -> memref<256x1024xf32, #tpu.memory_space<hbm>>
      %dma_start3A_40 = arith.constant 0 : i32
      %dma_start3A_41 = tpu.memref_slice %dma_start3A_39[%mul3A_36, %dma_start3A_40] : memref<256x1024xf32, #tpu.memory_space<hbm>> -> memref<128x1024xf32, #tpu.memory_space<hbm>>
      %dma_start3A_42 = arith.constant 0 : i32
      %dma_start3A_43 = tpu.memref_slice %arg2[%mul3A_36, %dma_start3A_42] : memref<256x1024xf32, #tpu.memory_space<hbm>> -> memref<128x1024xf32, #tpu.memory_space<hbm>>
      tpu.enqueue_dma source(%dma_start3A_43 : memref<128x1024xf32, #tpu.memory_space<hbm>>) target(%dma_start3A_41 : memref<128x1024xf32, #tpu.memory_space<hbm>>) target_semaphore(%run_scoped3A : memref<!tpu.dma_semaphore, #tpu.memory_space<semaphore_mem>>)
      %dma_wait3A = arith.constant 0 : i32
      %dma_wait3A_44 = arith.constant 0 : i32
      %dma_wait3A_45 = tpu.memref_slice %arg3[%select_n3A, %dma_wait3A, %dma_wait3A_44] : memref<16x256x1024xf32, #tpu.memory_space<hbm>> -> memref<1x256x1024xf32, #tpu.memory_space<hbm>>
      %dma_wait3A_46 = tpu.memref_squeeze %dma_wait3A_45 : memref<1x256x1024xf32, #tpu.memory_space<hbm>> -> memref<256x1024xf32, #tpu.memory_space<hbm>>
      %dma_wait3A_47 = arith.constant 0 : i32
      %dma_wait3A_48 = tpu.memref_slice %dma_wait3A_46[%mul3A_36, %dma_wait3A_47] : memref<256x1024xf32, #tpu.memory_space<hbm>> -> memref<128x1024xf32, #tpu.memory_space<hbm>>
      %dma_wait3A_49 = arith.constant 0 : i32
      %dma_wait3A_50 = tpu.memref_slice %arg2[%mul3A_36, %dma_wait3A_49] : memref<256x1024xf32, #tpu.memory_space<hbm>> -> memref<128x1024xf32, #tpu.memory_space<hbm>>
      tpu.wait_dma2 semaphore(%run_scoped3A : memref<!tpu.dma_semaphore, #tpu.memory_space<semaphore_mem>>) src(%dma_wait3A_50 : memref<128x1024xf32, #tpu.memory_space<hbm>>) dst(%dma_wait3A_48 : memref<128x1024xf32, #tpu.memory_space<hbm>>)
      tpu.yield
    }) : () -> ()
    return
  }
}

module attributes {stable_mosaic.version = 14 : i64} {
  func.func @_plane_body(%arg0: memref<256x32xf32, #tpu.memory_space<vmem>>, %arg1: memref<256x32xf32, #tpu.memory_space<vmem>>, %arg2: memref<256x1024xf32, #tpu.memory_space<vmem>>) attributes {dimension_semantics = [], scalar_prefetch = 0 : i64, scratch_operands = 0 : i64, tpu.core_type = #tpu.core_type<tc>} {
    %iota3A = tpu.iota {dimensions = array<i32: 1>} : vector<32x1024xi32>
    %jit3A = arith.constant 32 : i32
    %div3A = vector.broadcast %jit3A : i32 to vector<32x1024xi32>
    %div3A_0 = arith.divsi %iota3A, %div3A : vector<32x1024xi32>
    %sign3A = arith.constant 0 : i32
    %sign3A_1 = vector.broadcast %sign3A : i32 to vector<32x1024xi32>
    %sign3A_2 = arith.cmpi sgt, %iota3A, %sign3A_1 : vector<32x1024xi32>
    %sign3A_3 = arith.extui %sign3A_2 : vector<32x1024xi1> to vector<32x1024xi32>
    %sign3A_4 = arith.constant 0 : i32
    %sign3A_5 = vector.broadcast %sign3A_4 : i32 to vector<32x1024xi32>
    %sign3A_6 = arith.cmpi slt, %iota3A, %sign3A_5 : vector<32x1024xi32>
    %sign3A_7 = arith.extui %sign3A_6 : vector<32x1024xi1> to vector<32x1024xi32>
    %sign3A_8 = arith.subi %sign3A_3, %sign3A_7 : vector<32x1024xi32>
    %sign3A_9 = arith.constant 0 : i32
    %sign3A_10 = arith.cmpi sgt, %jit3A, %sign3A_9 : i32
    %sign3A_11 = arith.extui %sign3A_10 : i1 to i32
    %sign3A_12 = arith.constant 0 : i32
    %sign3A_13 = arith.cmpi slt, %jit3A, %sign3A_12 : i32
    %sign3A_14 = arith.extui %sign3A_13 : i1 to i32
    %sign3A_15 = arith.subi %sign3A_11, %sign3A_14 : i32
    %ne3A = vector.broadcast %sign3A_15 : i32 to vector<32x1024xi32>
    %ne3A_16 = arith.cmpi ne, %sign3A_8, %ne3A : vector<32x1024xi32>
    %rem3A = vector.broadcast %jit3A : i32 to vector<32x1024xi32>
    %rem3A_17 = arith.remsi %iota3A, %rem3A : vector<32x1024xi32>
    %ne3A_18 = arith.constant 0 : i32
    %ne3A_19 = vector.broadcast %ne3A_18 : i32 to vector<32x1024xi32>
    %ne3A_20 = arith.cmpi ne, %rem3A_17, %ne3A_19 : vector<32x1024xi32>
    %and3A = arith.andi %ne3A_16, %ne3A_20 : vector<32x1024xi1>
    %sub3A = arith.constant 1 : i32
    %sub3A_21 = vector.broadcast %sub3A : i32 to vector<32x1024xi32>
    %sub3A_22 = arith.subi %div3A_0, %sub3A_21 : vector<32x1024xi32>
    %select_n3A = arith.select %and3A, %sub3A_22, %div3A_0 : vector<32x1024xi1>, vector<32x1024xi32>
    %iota3A_23 = tpu.iota {dimensions = array<i32: 1>} : vector<32x1024xi32>
    %jit3A_24 = arith.constant 32 : i32
    %eq3A = arith.constant 0 : i32
    %eq3A_25 = arith.cmpi eq, %jit3A_24, %eq3A : i32
    %jit3A_26 = arith.constant 1 : i32
    %select_n3A_27 = arith.select %eq3A_25, %jit3A_26, %jit3A_24 : i32
    %rem3A_28 = vector.broadcast %select_n3A_27 : i32 to vector<32x1024xi32>
    %rem3A_29 = arith.remsi %iota3A_23, %rem3A_28 : vector<32x1024xi32>
    %ne3A_30 = arith.constant 0 : i32
    %ne3A_31 = vector.broadcast %ne3A_30 : i32 to vector<32x1024xi32>
    %ne3A_32 = arith.cmpi ne, %rem3A_29, %ne3A_31 : vector<32x1024xi32>
    %lt3A = arith.constant 0 : i32
    %lt3A_33 = vector.broadcast %lt3A : i32 to vector<32x1024xi32>
    %lt3A_34 = arith.cmpi slt, %rem3A_29, %lt3A_33 : vector<32x1024xi32>
    %lt3A_35 = arith.constant 0 : i32
    %lt3A_36 = arith.cmpi slt, %select_n3A_27, %lt3A_35 : i32
    %ne3A_37 = vector.broadcast %lt3A_36 : i1 to vector<32x1024xi1>
    %ne3A_38 = vector.broadcast %ne3A_37 : vector<32x1024xi1> to vector<32x1024xi1>
    %ne3A_39 = arith.xori %lt3A_34, %ne3A_38 : vector<32x1024xi1>
    %and3A_40 = arith.andi %ne3A_39, %ne3A_32 : vector<32x1024xi1>
    %add3A = vector.broadcast %select_n3A_27 : i32 to vector<32x1024xi32>
    %add3A_41 = arith.addi %rem3A_29, %add3A : vector<32x1024xi32>
    %select_n3A_42 = arith.select %and3A_40, %add3A_41, %rem3A_29 : vector<32x1024xi1>, vector<32x1024xi32>
    %iota3A_43 = tpu.iota {dimensions = array<i32: 0>} : vector<32x1024xi32>
    %iota3A_44 = tpu.iota {dimensions = array<i32: 0>} : vector<32x1024xi32>
    %eq3A_45 = arith.cmpi eq, %select_n3A, %iota3A_43 : vector<32x1024xi32>
    %convert_element_type3A = arith.extui %eq3A_45 : vector<32x1024xi1> to vector<32x1024xi32>
    %convert_element_type3A_46 = arith.sitofp %convert_element_type3A : vector<32x1024xi32> to vector<32x1024xf32>
    %eq3A_47 = arith.cmpi eq, %select_n3A_42, %iota3A_44 : vector<32x1024xi32>
    %convert_element_type3A_48 = arith.extui %eq3A_47 : vector<32x1024xi1> to vector<32x1024xi32>
    %convert_element_type3A_49 = arith.sitofp %convert_element_type3A_48 : vector<32x1024xi32> to vector<32x1024xf32>
    %get3A = arith.constant 0 : index
    %get3A_50 = arith.constant 0 : index
    %get3A_51 = vector.load %arg0[%get3A, %get3A_50] : memref<256x32xf32, #tpu.memory_space<vmem>>, vector<256x32xf32>
    %dot_general3A = arith.constant dense<0.000000e+00> : vector<256x1024xf32>
    %dot_general3A_52 = tpu.matmul %get3A_51, %convert_element_type3A_46, %dot_general3A {dimension_numbers = #tpu.dot_dimension_numbers<[1], [0], [0], [1], [0, 0, 1, 1], [], []>, precision = #tpu.contract_precision<fp32>, transpose_lhs_hint = false} : vector<256x32xf32>, vector<32x1024xf32>, vector<256x1024xf32> -> vector<256x1024xf32>
    %get3A_53 = arith.constant 0 : index
    %get3A_54 = arith.constant 0 : index
    %get3A_55 = vector.load %arg1[%get3A_53, %get3A_54] : memref<256x32xf32, #tpu.memory_space<vmem>>, vector<256x32xf32>
    %dot_general3A_56 = arith.constant dense<0.000000e+00> : vector<256x1024xf32>
    %dot_general3A_57 = tpu.matmul %get3A_55, %convert_element_type3A_49, %dot_general3A_56 {dimension_numbers = #tpu.dot_dimension_numbers<[1], [0], [0], [1], [0, 0, 1, 1], [], []>, precision = #tpu.contract_precision<fp32>, transpose_lhs_hint = false} : vector<256x32xf32>, vector<32x1024xf32>, vector<256x1024xf32> -> vector<256x1024xf32>
    %add3A_58 = arith.addf %dot_general3A_52, %dot_general3A_57 : vector<256x1024xf32>
    %swap3A = arith.constant 0 : index
    %swap3A_59 = arith.constant 0 : index
    %swap3A_60 = vector.load %arg2[%swap3A, %swap3A_59] : memref<256x1024xf32, #tpu.memory_space<vmem>>, vector<256x1024xf32>
    tpu.vector_store %arg2[%swap3A, %swap3A_59], %add3A_58 {strides = array<i32>} : memref<256x1024xf32, #tpu.memory_space<vmem>>, vector<256x1024xf32>,
    return
  }
}

</mosaic_0001>

<sc_bundles>
// kernel: kernel.4.cloned.1.call-start
scs
__scs_entry_jumppad:
0x0: {  	(pc) =	sbr.rel $0x88, $3  }
0x1: {  	(tag) =	ssettag $0x0;
	lr =	simm.s32 $0x1  }
0x2: {  	[smem:$0x3F9F] =	sst lr;
	_ =	strace $0xD0000000  }
0x3: {  	_ = 	snop  }
0x4: {  	_ = 	snop  }
0x5: {  	_ = 	snop  }
0x6: {  	_ = 	snop  }
0x7: {  	_ = 	snop  }
__scs_overlays_trampoline_lowered:
0x8: {  	[smem:$0x3FAE] =	sst s0  }
0x9: {  	[smem:$0x3FAF] =	sst s1  }
0xa: {  	[smem:$0x3FB0] =	sst s2  }
0xb: {  	[smem:$0x3FB1] =	sst s3  }
0xc: {  	[smem:$0x3FB2] =	sst s4  }
0xd: {  	[smem:$0x3FB3] =	sst s5  }
0xe: {  	[smem:$0x3FB4] =	sst s6  }
0xf: {  	[smem:$0x3FB5] =	sst s7  }
0x10: {  	[smem:$0x3FB6] =	sst s8  }
0x11: {  	[smem:$0x3FB7] =	sst s9;
	s0 =	simm.s32 @!p0 $0x0  }
0x12: {  	s1 =	sld [smem:$0x3F9D];
	s0 =	simm.s32 @p0 $0x1  }
0x13: {  	[smem:$0x3FB8] =	sst s0;
	s0 =	simm.s32 @!p1 $0x0  }
0x14: {  	s2 =	sld [smem:$0x3F9C];
	s0 =	simm.s32 @p1 $0x1  }
0x15: {  	[smem:$0x3FB9] =	sst s0;
	s0 =	simm.s32 @!p2 $0x0  }
0x16: {  	s3 =	sld [smem:$0x3FDB];
	s0 =	simm.s32 @p2 $0x1  }
0x17: {  	s4 =	simm.s32 $0x1BF5;
	[smem:$0x3FBB] =	sst s0  }
0x18: {  	s0 =	sld [smem:$0x3F9E];
	_ =	swait.ge [sflag:s4], $0x0  }
0x19: {  	s7 =	sld [smem:$0x3F9F]  }
0x1a: {  	s8 =	sadd.s32 $0xFFFFE003, lr  }
0x1b: {  	s9 =	sadd.s32 $0xFFFFFEF7, lr;
	s5 =	simm.s32 $0xFFFFFFFF;
	p2 =	slt.u32 s8, $0xFFFFF086  }
0x1c: {  	p1 =	slt.u32 s9, $0xF7A;
	s5 =	simm.s32 @!p2 $0x0  }
0x1d: {  	s5 =	simm.s32 @p1 $0x1;
	p0 =	seq.s32 s7, s2  }
0x1e: {  	s7 =	smul.u32 @!p0 $0xF7A, s2;
	p2 =	seq.s32 @!p0 s5, $0x0  }
0x1f: {  	s9 =	smul.u32 $0xF7A, s1;
	s8 =	simm.s32 @!p0 $0x1BF5;
	p2 =	por !p2, p0  }
0x20: {  	[sflag:s8] =	ssyncset.s32 @!p0 $0xFFFFF086;
	s6 =	sadd.s32 @!p0 s3, s7;
	s7 =	simm.s32 @!p0 $0x108  }
0x21: {  	s3 =	sadd.s32 s3, s9;
	s6 =	sadd.s32 @!p0 $0x88, s6;
	s7 =	simm.s32 @p2 $0x1082  }
0x22: {  	[simem:s7], [sflag:s8] =	dma.local @!p0 [hbm:s6], $0xF7A  }
0x23: {  	s9 =	sor.u32 $0xD0000000, s2;
	s6 =	simm.s32 $0x108;
	_ =	swait.ge @!p0 [sflag:s8], $0x0  }
0x24: {  	s3 =	sadd.s32 $0x88, s3;
	s6 =	simm.s32 @!p1 $0x1082;
	[sflag:s4] =	ssyncset.s32 $0xFFFFF086  }
0x25: {  	[simem:s6], [sflag:s4] =	dma.local [hbm:s3], $0xF7A  }
0x26: {  	[smem:$0x3F9F] =	sst s1;
	(tag) =	ssettag s2;
	_ =	strace s9  }
0x27: {  	s1 =	sld [smem:$0x3FAF]  }
0x28: {  	s2 =	sld [smem:$0x3FB0]  }
0x29: {  	s4 =	sld [smem:$0x3FB2]  }
0x2a: {  	p0 =	seq.s32 s5, $0x0;
	s5 =	sld [smem:$0x3FB3]  }
0x2b: {  	s6 =	sld [smem:$0x3FB4]  }
0x2c: {  	s7 =	sld [smem:$0x3FB5]  }
0x2d: {  	s3 =	simm.s32 $0x108;
	s8 =	sld [smem:$0x3FB6]  }
0x2e: {  	s3 =	simm.s32 @!p0 $0x1082;
	s9 =	sld [smem:$0x3FB7]  }
0x2f: {  	lr =	sadd.s32 s0, s3;
	s0 =	sld [smem:$0x3FAE]  }
0x30: {  	s3 =	sld [smem:$0x3FB1]  }
0x31: {  	[smem:$0x3FBA] =	sst s10  }
0x32: {  	s10 =	sld [smem:$0x3FB8];
	_ =	sdelay $0x3  }
0x33: {  	p0 =	seq.s32 s10, $0x1;
	s10 =	sld [smem:$0x3FBA];
	_ =	sdelay $0x3  }
0x34: {  	[smem:$0x3FBA] =	sst s10  }
0x35: {  	s10 =	sld [smem:$0x3FB9];
	_ =	sdelay $0x3  }
0x36: {  	p1 =	seq.s32 s10, $0x1;
	s10 =	sld [smem:$0x3FBA];
	_ =	sdelay $0x3  }
0x37: {  	[smem:$0x3FBA] =	sst s10  }
0x38: {  	s10 =	sld [smem:$0x3FBB]  }
0x39: {  	_ = 	snop;
	(pc) =	sbr.ind lr, $3  }
0x3a: {  	_ = 	snop  }
0x3b: {  	_ = 	snop  }
0x3c: {  	p2 =	seq.s32 s10, $0x1;
	s10 =	sld [smem:$0x3FBA]  }
0x3d: {  	_ =	shalt  }
0x3e: {  	_ =	shalt  }
0x3f: {  	_ =	shalt  }
0x40: {  	_ =	shalt  }
0x41: {  	_ =	shalt  }
0x42: {  	_ =	shalt  }
0x43: {  	_ =	shalt  }
0x44: {  	_ =	shalt  }
0x45: {  	_ =	shalt  }
0x46: {  	_ =	shalt  }
0x47: {  	_ =	shalt  }
0x48: {  	_ =	shalt  }
0x49: {  	_ =	shalt  }
0x4a: {  	_ =	shalt  }
0x4b: {  	_ =	shalt  }
0x4c: {  	_ =	shalt  }
0x4d: {  	_ =	shalt  }
0x4e: {  	_ =	shalt  }
0x4f: {  	_ =	shalt  }
0x50: {  	_ =	shalt  }
0x51: {  	_ =	shalt  }
0x52: {  	_ =	shalt  }
0x53: {  	_ =	shalt  }
0x54: {  	_ =	shalt  }
0x55: {  	_ =	shalt  }
0x56: {  	_ =	shalt  }
0x57: {  	_ =	shalt  }
0x58: {  	_ =	shalt  }
0x59: {  	_ =	shalt  }
0x5a: {  	_ =	shalt  }
0x5b: {  	_ =	shalt  }
0x5c: {  	_ =	shalt  }
0x5d: {  	_ =	shalt  }
0x5e: {  	_ =	shalt  }
0x5f: {  	_ =	shalt  }
0x60: {  	_ =	shalt  }
0x61: {  	_ =	shalt  }
0x62: {  	_ =	shalt  }
0x63: {  	_ =	shalt  }
0x64: {  	_ =	shalt  }
0x65: {  	_ =	shalt  }
0x66: {  	_ =	shalt  }
0x67: {  	_ =	shalt  }
0x68: {  	_ =	shalt  }
0x69: {  	_ =	shalt  }
0x6a: {  	_ =	shalt  }
0x6b: {  	_ =	shalt  }
0x6c: {  	_ =	shalt  }
0x6d: {  	_ =	shalt  }
0x6e: {  	_ =	shalt  }
0x6f: {  	_ =	shalt  }
0x70: {  	_ =	shalt  }
0x71: {  	_ =	shalt  }
0x72: {  	_ =	shalt  }
0x73: {  	_ =	shalt  }
0x74: {  	_ =	shalt  }
0x75: {  	_ =	shalt  }
0x76: {  	_ =	shalt  }
0x77: {  	_ =	shalt  }
0x78: {  	_ =	shalt  }
0x79: {  	_ =	shalt  }
0x7a: {  	_ =	shalt  }
0x7b: {  	_ =	shalt  }
0x7c: {  	_ =	shalt  }
0x7d: {  	_ =	shalt  }
0x7e: {  	_ =	shalt  }
0x7f: {  	_ =	shalt  }
0x80: {  	_ =	shalt  }
0x81: {  	_ =	shalt  }
0x82: {  	_ =	shalt  }
0x83: {  	_ =	shalt  }
0x84: {  	_ =	shalt  }
0x85: {  	_ =	shalt  }
0x86: {  	_ =	shalt  }
0x87: {  	_ =	shalt  }
.Lfunc_end0:
.L_simem_size_0:
called_computation_lowered:
.L_overlay_start_0:
0x88: {  	s2 =	sld [smem:$0x3FD9]  }
0x89: {  	s3 =	sld [smem:$0x3FFE];
	_ =	sdelay $0x1  }
0x8a: {  	s1 =	srdreg.scid  }
0x8b: {  	s0 =	sand.u32 $0x1, s1  }
0x8c: {  	s17 =	sshll.u32 s0, $0xA;
	s2 =	sadd.s32 s3, s2  }
0x8d: {  	s2 =	sadd.s32 s2, s17  }
0x8e: {  	[smem:$0x3FC6] =	sst s2  }
0x8f: {  	_ = 	snop  }
0x90: {  	s2 =	sld [smem:$0x3FD0];
	(tm) =	ssettm $0x1  }
0x91: {  	s18 =	sld [smem:$0x3FFB];
	_ =	sdelay $0x3  }
0x92: {  	_ =	strace s18  }
0x93: {  	s3 =	sld [smem:$0x3FFC];
	_ =	sdelay $0x3  }
0x94: {  	_ =	strace s3  }
0x95: {  	s3 =	sld [smem:$0x3FFD];
	_ =	sdelay $0x3  }
0x96: {  	_ =	strace s3  }
0x97: {  	_ =	strace $0x8FFFFFFF  }
0x98: {  	s19 =	sld [smem:$0x3FDB];
	_ =	sdelay $0x1  }
0x99: {  	s4 =	simm.s32 $_scs_section_size  }
0x9a: {  	s5 =	simm.s32 $_size__tile_overlayer_lowered;
	s6 =	simm.s32 $_tile_overlayer_lowered  }
0x9b: {  	s22 =	simm.s32 $0x1BFF;
	s21 =	sshll.u32 s6, $0x1;
	s3 =	sadd.s32 s4, s19  }
0x9c: {  	s7 =	simm.s32 $0x0;
	s20 =	sshll.u32 s5, $0x1;
	s5 =	sadd.s32 s21, s3  }
0x9d: {  	[timem:s7], [sflag:s22] =	dma.local [hbm:s5], s20  }
0x9e: {  	_ =	swait.ge [sflag:s22], s20  }
0x9f: {  	s4 =	ssub.s32 $0x0, s20;
	[sflag:s22] =	ssyncset.done $0x0  }
0xa0: {  	[sflag:s22] =	ssyncadd.s32 s4;
	_ =	sdelay $0x1  }
0xa1: {  	s23 =	simm.s32 $0x1B8B  }
0xa2: {  	_ =	swait.ge [sflag:s23], $0x1  }
0xa3: {  	[sflag:s23] =	ssyncset.done $0x0  }
0xa4: {  	s25 =	simm.s32 $0x1B8E;
	s24 =	sld [smem:$0x3FFE];
	[sflag:s23] =	ssyncadd.s32 $0xFFFFFFFF  }
0xa5: {  	s26 =	simm.s32 $execute0_lowered;
	[smem:$0x3FD2] =	sst s25  }
0xa6: {  	s5 =	sshll.u32 s26, $0x1;
	_ =	strace $0x80000046;
	[dreg:$0x1] =	wrdreg $0xFFFFFFFF  }
0xa7: {  	s28 =	simm.s32 $_size_execute0_lowered;
	s3 =	sadd.s32 s3, s5;
	[dreg:$0x0] =	wrdreg $0x0  }
0xa8: {  	s5 =	sshll.u32 s28, $0x1;
	[dreg:$0x2] =	wrdreg s3  }
0xa9: {  	[dreg:$0x3] =	wrdreg s5  }
0xaa: {  	[dreg:$0x4] =	wrdreg $0xC0  }
0xab: {  	_ =	task [dreg:s7], $0x5FFFF  }
0xac: {  	[dreg:$0x1] =	wrdreg $0xFFFFFFFF  }
0xad: {  	[dreg:$0x0] =	wrdreg $0x60  }
0xae: {  	[dreg:$0x2] =	wrdreg s2  }
0xaf: {  	[dreg:$0x3] =	wrdreg s24  }
0xb0: {  	[dreg:$0x4] =	wrdreg $0x9  }
0xb1: {  	_ =	task.clear_ibuf [dreg:s7], $0x5FFFF;
	_ =	strace $0x90000046  }
0xb2: {  	s29 =	simm.s32 $0x9;
	_ =	strace $0x80000048  }
0xb3: {  	_ =	swait.ge [sflag:s29], $0x1  }
0xb4: {  	[sflag:s29] =	ssyncadd.s32 $0xFFFFFFFF  }
0xb5: {  	_ =	strace $0x90000048  }
0xb6: {  	_ =	sfence  }
0xb7: {  	s30 =	sld [smem:$0x0];
	_ =	sdelay $0x2  }
0xb8: {  	s31 =	sshll.u32 s1, $0xD;
	s1 =	sshrl.u32 s1, $0x2  }
0xb9: {  	s3 =	sand.u32 $0x4000, s31;
	s1 =	sadd.s32 s1, s30  }
0xba: {  	s0 =	sor.u32 s3, s0;
	s1 =	sshll.u32 s1, $0x11  }
0xbb: {  	s0 =	sor.u32 s1, s0  }
0xbc: {  	s0 =	sadd.s32 $0x8F2B, s0  }
0xbd: {  	[sflag:s0] =	ssyncadd.remote.s32 $0x1  }
0xbe: {  	_ =	sfence.sel $0xFFFF  }
0xbf: {  	[dreg:$0x0] =	wrdreg $0xFFFFFFFF;
	(pc) =	sbr.abs _section_cstart, $3  }
0xc0: {  	[dreg:$0x1] =	wrdreg $0xFFFFFFFF  }
0xc1: {  	_ =	task.clear_ibuf [dreg:s7], $0x2FFFF;
	_ =	strace $0x9FFFFFFF  }
0xc2: {  	(tm) =	ssettm $0x7FFFFFFF  }
0xc3: {  	_ =	shalt  }
tec
execute0_lowered:
.L_overlay_start_1:
0x0: {  	(tag) =	ssettag $0x1  }
0x1: {  	s1 =	srdreg.scid  }
0x2: {  	s0 =	stileid.u32;
	s3 =	sand.u32 $0x1, s1  }
0x3: {  	s1 =	sor.u32 s3, s0  }
0x4: {  	s4 =	rddreg [dreg:$0x0];
	p1 =	seq.s32 s3, $0x1;
	p0 =	seq.s32 s1, $0x0  }
0x5: {  	s2 =	rddreg [dreg:$0x1];
	p0 =	por !p0, !p1  }
0x6: {  	s30 =	ssub.s32 $0x2, s3;
	s1 =	simm.s32 $0x1;
	p0 =	por !p0, !p0  }
0x7: {  	s6 =	simm.s32 $0x0;
	s7 =	sshrl.u32 s30, $0x1;
	s1 =	simm.s32 @!p0 $0x0  }
0x8: {  	[smem:$0x7FF] =	sst s6;
	s6 =	ssub.s32 s30, s7;
	s5 =	ssub.s32 s0, s1  }
0x9: {  	s31 =	sshll.u32 s0, $0x6;
	s6 =	smax.u32 s6, $0x1;
	s5 =	sshll.u32 s5, $0xF  }
0xa: {  	s3 =	sshll.u32 s3, $0xE;
	p0 =	sne.s32 s6, $0x1;
	s5 =	sand.u32 $0x1FFF8000, s5  }
0xb: {  	s1 =	rddreg [dreg:$0x2];
	_ =	strace $0x80000047;
	s5 =	sadd.s32 s5, s2  }
.Ltmp0:
0xc: {  	s2 =	simm.s32 $0x1;
	s5 =	sadd.s32 s3, s5;
	(pc) =	sbr.rel @!p0 .LBB2_2-.Ltmp0, $4  }
0xd: {  	s3 =	sadd.s32 s4, s3;
	s4 =	sadd.s32 $0x600, s5;
	s5 =	sor.u32 $0x1C01, s31  }
0xe: {  	[hbm:s4], [sflag:s5] =	dma.local [hbm:s3], $0x4000  }
0xf: {  	_ =	swait.ge [sflag:s2], $0x4000  }
0x10: {  	s6 =	sadd.s32 $0xFFFFFFFF, s6;
	[sflag:s2] =	ssyncset.done $0x0  }
.LBB2_1:
0x11: {  	p0 =	sne.s32 s6, $0x1;
	s6 =	sadd.s32 $0xFFFFFFFF, s6;
	[sflag:s2] =	ssyncadd.s32 $0xFFFFC000  }
.Ltmp1:
0x12: {  	(pc) =	sbr.rel @p0 .LBB2_1-.Ltmp1, $4  }
0x13: {  	_ = 	snop  }
0x14: {  	[hbm:s4], [sflag:s5] =	dma.local [hbm:s3], $0x4000  }
0x15: {  	_ =	swait.ge [sflag:s2], $0x4000  }
0x16: {  	[sflag:s2] =	ssyncset.done $0x0  }
.LBB2_2:
0x17: {  	[sflag:s2] =	ssyncadd.s32 $0xFFFFC000  }
0x18: {  	_ =	sfence.sel $0x180000  }
0x19: {  	[bflag:$0x0] =	sbarrier.arrive $0xFFFF  }
0x1a: {  	p0 =	sne.s32 s0, $0x0;
	_ =	strace $0x90000047  }
0x1b: {  	s0 =	sadd.s32 @!p0 $0x100000, s1;
	[bflag:$0x2] =	sbarrier.arrive $0xFFFF  }
0x1c: {  	[sflag:s0] =	ssyncadd.tile.s32 @!p0 $0x1;
	_ =	shalt  }
.Lfunc_end2:
_tile_overlayer_lowered:
.L_overlay_start_2:
0x1d: {  	(tag) =	ssettag $0x2  }
0x1e: {  	s0 =	rddreg [dreg:$0x0];
	s2 =	stileid.u32  }
0x1f: {  	s1 =	rddreg [dreg:$0x1];
	p0 =	sne.s32 s2, $0x0  }
0x20: {  	s3 =	rddreg [dreg:$0x2];
	[bflag:$0x3] =	sbarrier.arrive $0xFFFF;
	s2 =	simm.s32 @!p0 $0x1C01  }
0x21: {  	[timem:s3], [sflag:s2] =	dma.local @!p0 [hbm:s0], s1  }
0x22: {  	s0 =	simm.s32 @!p0 $0x1  }
0x23: {  	_ =	swait.ge @!p0 [sflag:s0], s1  }
0x24: {  	s1 =	ssub.s32 @!p0 $0x0, s1;
	[sflag:s0] =	ssyncset.done @!p0 $0x0  }
0x25: {  	[sflag:s0] =	ssyncadd.s32 @!p0 s1  }
0x26: {  	[bflag:$0x3] =	sbarrier.arrive $0xFFFF  }
0x27: {  	_ =	shalt  }

</sc_bundles>
